<compile_context>
chip_gen: v7x
topology: tpu7x:2x2x1
jax: 0.10.2.dev20260603
libtpu: 0.0.44.dev20260713+nightly
codegen_flags: <defaults>
</compile_context>

<pallas_src>
import functools

import jax
import jax.numpy as jnp
from jax import lax
from jax.experimental import pallas as pl
from jax.experimental.pallas import tpu as pltpu
from jax.experimental.pallas import tpu_sc as plsc

_VOCAB = 100000
_FACTOR = 128
_HIDDEN = 1024
_B = 4
_S = 2048
_NTOK = _B * _S

_NC = 2
_NS = 16
_NW = _NC * _NS
_PER_W = _NTOK // _NW
_CHUNK = 128
_CHUNKS = _PER_W // _CHUNK

_BS = 2048


_WPB = _S // _PER_W


def _sc_gather_body(idx_hbm, table_hbm, out_hbm, idx_v, rows_v, gsem, wsem):
    wid = lax.axis_index("s") * _NC + lax.axis_index("c")
    b = wid // _WPB
    off = (wid % _WPB) * _PER_W
    idx_copies = [
        pltpu.async_copy(
            idx_hbm.at[b, pl.ds(off + j * _CHUNK, _CHUNK)], idx_v.at[j], wsem
        )
        for j in range(_CHUNKS)
    ]
    for cp in idx_copies:
        cp.wait()
    gathers = [
        pltpu.async_copy(
            table_hbm.at[idx_v.at[j]],
            rows_v.at[pl.ds(j * _CHUNK, _CHUNK)],
            gsem,
        )
        for j in range(_CHUNKS)
    ]
    for cp in gathers:
        cp.wait()
    pltpu.async_copy(rows_v, out_hbm.at[pl.ds(wid * _PER_W, _PER_W)], wsem).wait()


@functools.cache
def _sc_gather():
    return pl.kernel(
        _sc_gather_body,
        mesh=plsc.VectorSubcoreMesh(core_axis_name="c", subcore_axis_name="s"),
        out_type=jax.ShapeDtypeStruct((_NTOK, _FACTOR), jnp.float32),
        scratch_types=[
            pltpu.VMEM((_CHUNKS, _CHUNK), jnp.int32),
            pltpu.VMEM((_PER_W, _FACTOR), jnp.float32),
            pltpu.SemaphoreType.DMA,
            pltpu.SemaphoreType.DMA,
        ],
    )


def _tc_body(g_ref, w2_ref, pos_ref, seg_ref, gam_ref, bet_ref, out_ref):
    seg = seg_ref[0, 0, :][:, None]
    onehot = (seg == lax.broadcasted_iota(jnp.int32, (1, 8), 1)).astype(jnp.float32)
    g_aug = jnp.concatenate([g_ref[0], onehot], axis=1)
    x = jnp.dot(g_aug, w2_ref[...], preferred_element_type=jnp.float32)
    x = x + pos_ref[...]
    mean = jnp.mean(x, axis=-1, keepdims=True)
    xc = x - mean
    var = jnp.mean(xc * xc, axis=-1, keepdims=True)
    xn = xc * lax.rsqrt(var + 1e-12)
    out_ref[0] = xn * gam_ref[...] + bet_ref[...]


def kernel(input_ids, segment_ids, word_table, W2, pos_table, type_table, gamma, beta):
    gathered = _sc_gather()(input_ids.astype(jnp.int32), word_table)

    nblk = _S // _BS
    g3 = gathered.reshape(_NTOK // _BS, _BS, _FACTOR)
    seg3 = segment_ids.astype(jnp.int32).reshape(_NTOK // _BS, 1, _BS)
    w2_aug = jnp.concatenate(
        [W2, type_table, jnp.zeros((5, _HIDDEN), jnp.float32)], axis=0
    )

    out = pl.pallas_call(
        _tc_body,
        grid=(nblk, _B),
        in_specs=[
            pl.BlockSpec((1, _BS, _FACTOR), lambda s, b: (b * nblk + s, 0, 0)),
            pl.BlockSpec((_FACTOR + 8, _HIDDEN), lambda s, b: (0, 0)),
            pl.BlockSpec((_BS, _HIDDEN), lambda s, b: (s, 0)),
            pl.BlockSpec((1, 1, _BS), lambda s, b: (b * nblk + s, 0, 0)),
            pl.BlockSpec((1, _HIDDEN), lambda s, b: (0, 0)),
            pl.BlockSpec((1, _HIDDEN), lambda s, b: (0, 0)),
        ],
        out_specs=pl.BlockSpec((1, _BS, _HIDDEN), lambda s, b: (b, s, 0)),
        out_shape=jax.ShapeDtypeStruct((_B, _S, _HIDDEN), jnp.float32),
        compiler_params=pltpu.CompilerParams(
            dimension_semantics=("parallel", "parallel"),
        ),
    )(g3, w2_aug, pos_table, seg3, gamma.reshape(1, _HIDDEN), beta.reshape(1, _HIDDEN))
    return out

# --- scband reference (transcript-rebuilt; emitter-appended) ---
"""Pipeline reference for scband-embeddings-9672266350890 (READ-ONLY COPY).

The authoritative reference and input builder live on the scoring server;
editing this copy changes nothing except your own understanding.
"""

import jax, jax.numpy as jnp
import numpy as np

VOCAB = 100000
FACTOR = 128
HIDDEN = 1024
MAX_POS = 2048
BATCH = 4
SEQ = 2048


def setup_inputs(seed: int = 0) -> dict:
    key = jax.random.key(seed)
    ks = jax.random.split(key, 8)
    input_ids = jax.random.randint(ks[0], (BATCH, SEQ), 0, VOCAB, dtype=jnp.int64 if jax.config.jax_enable_x64 else jnp.int32)
    segment_ids = jax.random.randint(ks[1], (BATCH, SEQ), 0, 3, dtype=jnp.int64 if jax.config.jax_enable_x64 else jnp.int32)
    word_table = jax.random.normal(ks[2], (VOCAB, FACTOR), dtype=jnp.float32) * 0.02
    word_table = word_table.at[0].set(0.0)  # padding_idx=0
    W2 = jax.random.normal(ks[3], (FACTOR, HIDDEN), dtype=jnp.float32) * 0.02  # Linear(128->hidden, bias=False)
    pos_table = jax.random.normal(ks[4], (MAX_POS, HIDDEN), dtype=jnp.float32) * 0.02
    type_table = jax.random.normal(ks[5], (3, HIDDEN), dtype=jnp.float32) * 0.02
    gamma = jnp.ones((HIDDEN,), dtype=jnp.float32)
    beta = jnp.zeros((HIDDEN,), dtype=jnp.float32)
    return {"input_ids": input_ids, "segment_ids": segment_ids, "word_table": word_table,
            "W2": W2, "pos_table": pos_table, "type_table": type_table, "gamma": gamma, "beta": beta}


def _layer_norm(x, gamma, beta, eps=1e-12):
    mean = jnp.mean(x, axis=-1, keepdims=True)
    var = jnp.mean((x - mean) ** 2, axis=-1, keepdims=True)
    xn = (x - mean) / jnp.sqrt(var + eps)
    return xn * gamma + beta


def reference(input_ids, segment_ids, word_table, W2, pos_table, type_table, gamma, beta):
    # position_ids default: arange(max_position_embeddings) expanded to input shape
    position_ids = jnp.broadcast_to(jnp.arange(MAX_POS, dtype=input_ids.dtype)[None, :], input_ids.shape)
    words = jnp.take(word_table, input_ids, axis=0)            # [B, S, 128] gather
    words = words @ W2                                         # factorized projection -> [B, S, H]
    pos = jnp.take(pos_table, position_ids, axis=0)            # [B, S, H] gather
    typ = jnp.take(type_table, segment_ids, axis=0)            # [B, S, H] gather
    emb = words + pos + typ
    emb = _layer_norm(emb, gamma, beta, eps=1e-12)
    # dropout is identity in deterministic/eval reference
    return emb

if __name__ == "__main__":
    import jax
    _d = setup_inputs()
    print(jax.jit(kernel)(*tuple(_d.values())))

</pallas_src>

<mosaic_0001>
#map = affine_map<(d0, d1) -> (0, 0)>
module attributes {stable_mosaic.version = 14 : i64} {
  func.func @_sc_gather_body(%arg0: i32, %arg1: i32, %arg2: memref<4x2048xi32, #tpu.memory_space<hbm>>, %arg3: memref<100000x128xf32, #tpu.memory_space<hbm>>, %arg4: memref<8192x128xf32, #tpu.memory_space<hbm>>, %arg5: memref<2x128xi32, #tpu.memory_space<vmem>>, %arg6: memref<256x128xf32, #tpu.memory_space<vmem>>, %arg7: memref<!tpu.dma_semaphore, #tpu.memory_space<semaphore_mem>>, %arg8: memref<!tpu.dma_semaphore, #tpu.memory_space<semaphore_mem>>) attributes {dimension_semantics = [#tpu.dimension_semantics<core_parallel>, #tpu.dimension_semantics<subcore_parallel>], iteration_bounds = array<i64: 2, 16>, scalar_prefetch = 0 : i64, scratch_operands = 4 : i64, tpu.core_type = #tpu.core_type<sc_vector_subcore>, window_params = [{transform_indices = #map}, {transform_indices = #map}, {transform_indices = #map}]} {
    %mul3A = arith.constant 2 : i32
    %mul3A_0 = arith.muli %arg1, %mul3A : i32
    %add3A = arith.addi %mul3A_0, %arg0 : i32
    %jit3A = arith.constant 8 : i32
    %div3A = arith.divsi %add3A, %jit3A : i32
    %sign3A = arith.constant 0 : i32
    %sign3A_1 = arith.cmpi sgt, %add3A, %sign3A : i32
    %sign3A_2 = arith.extui %sign3A_1 : i1 to i32
    %sign3A_3 = arith.constant 0 : i32
    %sign3A_4 = arith.cmpi slt, %add3A, %sign3A_3 : i32
    %sign3A_5 = arith.extui %sign3A_4 : i1 to i32
    %sign3A_6 = arith.subi %sign3A_2, %sign3A_5 : i32
    %sign3A_7 = arith.constant 0 : i32
    %sign3A_8 = arith.cmpi sgt, %jit3A, %sign3A_7 : i32
    %sign3A_9 = arith.extui %sign3A_8 : i1 to i32
    %sign3A_10 = arith.constant 0 : i32
    %sign3A_11 = arith.cmpi slt, %jit3A, %sign3A_10 : i32
    %sign3A_12 = arith.extui %sign3A_11 : i1 to i32
    %sign3A_13 = arith.subi %sign3A_9, %sign3A_12 : i32
    %ne3A = arith.cmpi ne, %sign3A_6, %sign3A_13 : i32
    %rem3A = arith.remsi %add3A, %jit3A : i32
    %ne3A_14 = arith.constant 0 : i32
    %ne3A_15 = arith.cmpi ne, %rem3A, %ne3A_14 : i32
    %and3A = arith.andi %ne3A, %ne3A_15 : i1
    %sub3A = arith.constant 1 : i32
    %sub3A_16 = arith.subi %div3A, %sub3A : i32
    %select_n3A = arith.select %and3A, %sub3A_16, %div3A : i32
    %jit3A_17 = arith.constant 8 : i32
    %eq3A = arith.constant 0 : i32
    %eq3A_18 = arith.cmpi eq, %jit3A_17, %eq3A : i32
    %jit3A_19 = arith.constant 1 : i32
    %select_n3A_20 = arith.select %eq3A_18, %jit3A_19, %jit3A_17 : i32
    %rem3A_21 = arith.remsi %add3A, %select_n3A_20 : i32
    %ne3A_22 = arith.constant 0 : i32
    %ne3A_23 = arith.cmpi ne, %rem3A_21, %ne3A_22 : i32
    %lt3A = arith.constant 0 : i32
    %lt3A_24 = arith.cmpi slt, %rem3A_21, %lt3A : i32
    %lt3A_25 = arith.constant 0 : i32
    %lt3A_26 = arith.cmpi slt, %select_n3A_20, %lt3A_25 : i32
    %ne3A_27 = arith.xori %lt3A_24, %lt3A_26 : i1
    %and3A_28 = arith.andi %ne3A_27, %ne3A_23 : i1
    %add3A_29 = arith.addi %rem3A_21, %select_n3A_20 : i32
    %select_n3A_30 = arith.select %and3A_28, %add3A_29, %rem3A_21 : i32
    %mul3A_31 = arith.constant 256 : i32
    %mul3A_32 = arith.muli %select_n3A_30, %mul3A_31 : i32
    %add3A_33 = arith.constant 0 : i32
    %add3A_34 = arith.addi %mul3A_32, %add3A_33 : i32
    %dma_start3A = arith.constant 0 : i32
    %dma_start3A_35 = arith.constant 0 : i32
    %dma_start3A_36 = tpu.memref_slice %arg5[%dma_start3A, %dma_start3A_35] : memref<2x128xi32, #tpu.memory_space<vmem>> -> memref<1x128xi32, #tpu.memory_space<vmem>>
    %dma_start3A_37 = tpu.memref_squeeze %dma_start3A_36 : memref<1x128xi32, #tpu.memory_space<vmem>> -> memref<128xi32, #tpu.memory_space<vmem>>
    %dma_start3A_38 = tpu.memref_slice %arg2[%select_n3A, %add3A_34] : memref<4x2048xi32, #tpu.memory_space<hbm>> -> memref<1x128xi32, #tpu.memory_space<hbm>>
    %dma_start3A_39 = tpu.memref_squeeze %dma_start3A_38 : memref<1x128xi32, #tpu.memory_space<hbm>> -> memref<128xi32, #tpu.memory_space<hbm>>
    %dma_start3A_40 = arith.constant 0 : i32
    %dma_start3A_41 = tpu.memref_slice %arg5[%dma_start3A, %dma_start3A_40] : memref<2x128xi32, #tpu.memory_space<vmem>> -> memref<1x128xi32, #tpu.memory_space<vmem>>
    %dma_start3A_42 = tpu.memref_squeeze %dma_start3A_41 : memref<1x128xi32, #tpu.memory_space<vmem>> -> memref<128xi32, #tpu.memory_space<vmem>>
    %dma_start3A_43 = tpu.memref_slice %arg2[%select_n3A, %add3A_34] : memref<4x2048xi32, #tpu.memory_space<hbm>> -> memref<1x128xi32, #tpu.memory_space<hbm>>
    %dma_start3A_44 = tpu.memref_squeeze %dma_start3A_43 : memref<1x128xi32, #tpu.memory_space<hbm>> -> memref<128xi32, #tpu.memory_space<hbm>>
    tpu.enqueue_dma source(%dma_start3A_44 : memref<128xi32, #tpu.memory_space<hbm>>) target(%dma_start3A_42 : memref<128xi32, #tpu.memory_space<vmem>>) target_semaphore(%arg8 : memref<!tpu.dma_semaphore, #tpu.memory_space<semaphore_mem>>)
    %add3A_45 = arith.constant 128 : i32
    %add3A_46 = arith.addi %mul3A_32, %add3A_45 : i32
    %dma_start3A_47 = arith.constant 1 : i32
    %dma_start3A_48 = arith.constant 0 : i32
    %dma_start3A_49 = tpu.memref_slice %arg5[%dma_start3A_47, %dma_start3A_48] : memref<2x128xi32, #tpu.memory_space<vmem>> -> memref<1x128xi32, #tpu.memory_space<vmem>>
    %dma_start3A_50 = tpu.memref_squeeze %dma_start3A_49 : memref<1x128xi32, #tpu.memory_space<vmem>> -> memref<128xi32, #tpu.memory_space<vmem>>
    %dma_start3A_51 = tpu.memref_slice %arg2[%select_n3A, %add3A_46] : memref<4x2048xi32, #tpu.memory_space<hbm>> -> memref<1x128xi32, #tpu.memory_space<hbm>>
    %dma_start3A_52 = tpu.memref_squeeze %dma_start3A_51 : memref<1x128xi32, #tpu.memory_space<hbm>> -> memref<128xi32, #tpu.memory_space<hbm>>
    %dma_start3A_53 = arith.constant 0 : i32
    %dma_start3A_54 = tpu.memref_slice %arg5[%dma_start3A_47, %dma_start3A_53] : memref<2x128xi32, #tpu.memory_space<vmem>> -> memref<1x128xi32, #tpu.memory_space<vmem>>
    %dma_start3A_55 = tpu.memref_squeeze %dma_start3A_54 : memref<1x128xi32, #tpu.memory_space<vmem>> -> memref<128xi32, #tpu.memory_space<vmem>>
    %dma_start3A_56 = tpu.memref_slice %arg2[%select_n3A, %add3A_46] : memref<4x2048xi32, #tpu.memory_space<hbm>> -> memref<1x128xi32, #tpu.memory_space<hbm>>
    %dma_start3A_57 = tpu.memref_squeeze %dma_start3A_56 : memref<1x128xi32, #tpu.memory_space<hbm>> -> memref<128xi32, #tpu.memory_space<hbm>>
    tpu.enqueue_dma source(%dma_start3A_57 : memref<128xi32, #tpu.memory_space<hbm>>) target(%dma_start3A_55 : memref<128xi32, #tpu.memory_space<vmem>>) target_semaphore(%arg8 : memref<!tpu.dma_semaphore, #tpu.memory_space<semaphore_mem>>)
    %dma_wait3A = arith.constant 0 : i32
    %dma_wait3A_58 = arith.constant 0 : i32
    %dma_wait3A_59 = tpu.memref_slice %arg5[%dma_wait3A, %dma_wait3A_58] : memref<2x128xi32, #tpu.memory_space<vmem>> -> memref<1x128xi32, #tpu.memory_space<vmem>>
    %dma_wait3A_60 = tpu.memref_squeeze %dma_wait3A_59 : memref<1x128xi32, #tpu.memory_space<vmem>> -> memref<128xi32, #tpu.memory_space<vmem>>
    %dma_wait3A_61 = tpu.memref_slice %arg2[%select_n3A, %add3A_34] : memref<4x2048xi32, #tpu.memory_space<hbm>> -> memref<1x128xi32, #tpu.memory_space<hbm>>
    %dma_wait3A_62 = tpu.memref_squeeze %dma_wait3A_61 : memref<1x128xi32, #tpu.memory_space<hbm>> -> memref<128xi32, #tpu.memory_space<hbm>>
    %dma_wait3A_63 = arith.constant 0 : i32
    %dma_wait3A_64 = tpu.memref_slice %arg5[%dma_wait3A, %dma_wait3A_63] : memref<2x128xi32, #tpu.memory_space<vmem>> -> memref<1x128xi32, #tpu.memory_space<vmem>>
    %dma_wait3A_65 = tpu.memref_squeeze %dma_wait3A_64 : memref<1x128xi32, #tpu.memory_space<vmem>> -> memref<128xi32, #tpu.memory_space<vmem>>
    %dma_wait3A_66 = tpu.memref_slice %arg2[%select_n3A, %add3A_34] : memref<4x2048xi32, #tpu.memory_space<hbm>> -> memref<1x128xi32, #tpu.memory_space<hbm>>
    %dma_wait3A_67 = tpu.memref_squeeze %dma_wait3A_66 : memref<1x128xi32, #tpu.memory_space<hbm>> -> memref<128xi32, #tpu.memory_space<hbm>>
    tpu.wait_dma2 semaphore(%arg8 : memref<!tpu.dma_semaphore, #tpu.memory_space<semaphore_mem>>) src(%dma_wait3A_67 : memref<128xi32, #tpu.memory_space<hbm>>) dst(%dma_wait3A_65 : memref<128xi32, #tpu.memory_space<vmem>>)
    %dma_wait3A_68 = arith.constant 1 : i32
    %dma_wait3A_69 = arith.constant 0 : i32
    %dma_wait3A_70 = tpu.memref_slice %arg5[%dma_wait3A_68, %dma_wait3A_69] : memref<2x128xi32, #tpu.memory_space<vmem>> -> memref<1x128xi32, #tpu.memory_space<vmem>>
    %dma_wait3A_71 = tpu.memref_squeeze %dma_wait3A_70 : memref<1x128xi32, #tpu.memory_space<vmem>> -> memref<128xi32, #tpu.memory_space<vmem>>
    %dma_wait3A_72 = tpu.memref_slice %arg2[%select_n3A, %add3A_46] : memref<4x2048xi32, #tpu.memory_space<hbm>> -> memref<1x128xi32, #tpu.memory_space<hbm>>
    %dma_wait3A_73 = tpu.memref_squeeze %dma_wait3A_72 : memref<1x128xi32, #tpu.memory_space<hbm>> -> memref<128xi32, #tpu.memory_space<hbm>>
    %dma_wait3A_74 = arith.constant 0 : i32
    %dma_wait3A_75 = tpu.memref_slice %arg5[%dma_wait3A_68, %dma_wait3A_74] : memref<2x128xi32, #tpu.memory_space<vmem>> -> memref<1x128xi32, #tpu.memory_space<vmem>>
    %dma_wait3A_76 = tpu.memref_squeeze %dma_wait3A_75 : memref<1x128xi32, #tpu.memory_space<vmem>> -> memref<128xi32, #tpu.memory_space<vmem>>
    %dma_wait3A_77 = tpu.memref_slice %arg2[%select_n3A, %add3A_46] : memref<4x2048xi32, #tpu.memory_space<hbm>> -> memref<1x128xi32, #tpu.memory_space<hbm>>
    %dma_wait3A_78 = tpu.memref_squeeze %dma_wait3A_77 : memref<1x128xi32, #tpu.memory_space<hbm>> -> memref<128xi32, #tpu.memory_space<hbm>>
    tpu.wait_dma2 semaphore(%arg8 : memref<!tpu.dma_semaphore, #tpu.memory_space<semaphore_mem>>) src(%dma_wait3A_78 : memref<128xi32, #tpu.memory_space<hbm>>) dst(%dma_wait3A_76 : memref<128xi32, #tpu.memory_space<vmem>>)
    %dma_start3A_79 = arith.constant 0 : i32
    %dma_start3A_80 = arith.constant 0 : i32
    %dma_start3A_81 = arith.constant 0 : i32
    %dma_start3A_82 = tpu.memref_slice %arg6[%dma_start3A_80, %dma_start3A_81] : memref<256x128xf32, #tpu.memory_space<vmem>> -> memref<128x128xf32, #tpu.memory_space<vmem>>
    %dma_start3A_83 = arith.constant 0 : i32
    %dma_start3A_84 = tpu.memref_slice %arg5[%dma_start3A_79, %dma_start3A_83] : memref<2x128xi32, #tpu.memory_space<vmem>> -> memref<1x128xi32, #tpu.memory_space<vmem>>
    %dma_start3A_85 = tpu.memref_squeeze %dma_start3A_84 : memref<1x128xi32, #tpu.memory_space<vmem>> -> memref<128xi32, #tpu.memory_space<vmem>>
    %dma_start3A_86 = arith.constant 0 : i32
    %dma_start3A_87 = arith.constant 0 : i32
    %dma_start3A_88 = tpu.memref_slice %arg3[%dma_start3A_86, %dma_start3A_87] : memref<100000x128xf32, #tpu.memory_space<hbm>> -> memref<100000x128xf32, #tpu.memory_space<hbm>>
    tpu.enqueue_indirect_dma source(%dma_start3A_88 : memref<100000x128xf32, #tpu.memory_space<hbm>>) target(%dma_start3A_82 : memref<128x128xf32, #tpu.memory_space<vmem>>) offsets(%dma_start3A_85 : memref<128xi32, #tpu.memory_space<vmem>>) semaphore(%arg7 : memref<!tpu.dma_semaphore, #tpu.memory_space<semaphore_mem>>)
    %dma_start3A_89 = arith.constant 1 : i32
    %dma_start3A_90 = arith.constant 128 : i32
    %dma_start3A_91 = arith.constant 0 : i32
    %dma_start3A_92 = tpu.memref_slice %arg6[%dma_start3A_90, %dma_start3A_91] : memref<256x128xf32, #tpu.memory_space<vmem>> -> memref<128x128xf32, #tpu.memory_space<vmem>>
    %dma_start3A_93 = arith.constant 0 : i32
    %dma_start3A_94 = tpu.memref_slice %arg5[%dma_start3A_89, %dma_start3A_93] : memref<2x128xi32, #tpu.memory_space<vmem>> -> memref<1x128xi32, #tpu.memory_space<vmem>>
    %dma_start3A_95 = tpu.memref_squeeze %dma_start3A_94 : memref<1x128xi32, #tpu.memory_space<vmem>> -> memref<128xi32, #tpu.memory_space<vmem>>
    %dma_start3A_96 = arith.constant 0 : i32
    %dma_start3A_97 = arith.constant 0 : i32
    %dma_start3A_98 = tpu.memref_slice %arg3[%dma_start3A_96, %dma_start3A_97] : memref<100000x128xf32, #tpu.memory_space<hbm>> -> memref<100000x128xf32, #tpu.memory_space<hbm>>
    tpu.enqueue_indirect_dma source(%dma_start3A_98 : memref<100000x128xf32, #tpu.memory_space<hbm>>) target(%dma_start3A_92 : memref<128x128xf32, #tpu.memory_space<vmem>>) offsets(%dma_start3A_95 : memref<128xi32, #tpu.memory_space<vmem>>) semaphore(%arg7 : memref<!tpu.dma_semaphore, #tpu.memory_space<semaphore_mem>>)
    %dma_wait3A_99 = arith.constant 0 : i32
    %dma_wait3A_100 = arith.constant 0 : i32
    %dma_wait3A_101 = arith.constant 0 : i32
    %dma_wait3A_102 = tpu.memref_slice %arg6[%dma_wait3A_100, %dma_wait3A_101] : memref<256x128xf32, #tpu.memory_space<vmem>> -> memref<128x128xf32, #tpu.memory_space<vmem>>
    %dma_wait3A_103 = arith.constant 0 : i32
    %dma_wait3A_104 = tpu.memref_slice %arg5[%dma_wait3A_99, %dma_wait3A_103] : memref<2x128xi32, #tpu.memory_space<vmem>> -> memref<1x128xi32, #tpu.memory_space<vmem>>
    %dma_wait3A_105 = tpu.memref_squeeze %dma_wait3A_104 : memref<1x128xi32, #tpu.memory_space<vmem>> -> memref<128xi32, #tpu.memory_space<vmem>>
    %dma_wait3A_106 = arith.constant 0 : i32
    %dma_wait3A_107 = arith.constant 0 : i32
    %dma_wait3A_108 = tpu.memref_slice %arg3[%dma_wait3A_106, %dma_wait3A_107] : memref<100000x128xf32, #tpu.memory_space<hbm>> -> memref<100000x128xf32, #tpu.memory_space<hbm>>
    tpu.wait_indirect_dma semaphore(%arg7 : memref<!tpu.dma_semaphore, #tpu.memory_space<semaphore_mem>>) src(%dma_wait3A_108 : memref<100000x128xf32, #tpu.memory_space<hbm>>) dst(%dma_wait3A_102 : memref<128x128xf32, #tpu.memory_space<vmem>>)
    %dma_wait3A_109 = arith.constant 1 : i32
    %dma_wait3A_110 = arith.constant 128 : i32
    %dma_wait3A_111 = arith.constant 0 : i32
    %dma_wait3A_112 = tpu.memref_slice %arg6[%dma_wait3A_110, %dma_wait3A_111] : memref<256x128xf32, #tpu.memory_space<vmem>> -> memref<128x128xf32, #tpu.memory_space<vmem>>
    %dma_wait3A_113 = arith.constant 0 : i32
    %dma_wait3A_114 = tpu.memref_slice %arg5[%dma_wait3A_109, %dma_wait3A_113] : memref<2x128xi32, #tpu.memory_space<vmem>> -> memref<1x128xi32, #tpu.memory_space<vmem>>
    %dma_wait3A_115 = tpu.memref_squeeze %dma_wait3A_114 : memref<1x128xi32, #tpu.memory_space<vmem>> -> memref<128xi32, #tpu.memory_space<vmem>>
    %dma_wait3A_116 = arith.constant 0 : i32
    %dma_wait3A_117 = arith.constant 0 : i32
    %dma_wait3A_118 = tpu.memref_slice %arg3[%dma_wait3A_116, %dma_wait3A_117] : memref<100000x128xf32, #tpu.memory_space<hbm>> -> memref<100000x128xf32, #tpu.memory_space<hbm>>
    tpu.wait_indirect_dma semaphore(%arg7 : memref<!tpu.dma_semaphore, #tpu.memory_space<semaphore_mem>>) src(%dma_wait3A_118 : memref<100000x128xf32, #tpu.memory_space<hbm>>) dst(%dma_wait3A_112 : memref<128x128xf32, #tpu.memory_space<vmem>>)
    %mul3A_119 = arith.constant 256 : i32
    %mul3A_120 = arith.muli %add3A, %mul3A_119 : i32
    %dma_start3A_121 = arith.constant 0 : i32
    %dma_start3A_122 = tpu.memref_slice %arg4[%mul3A_120, %dma_start3A_121] : memref<8192x128xf32, #tpu.memory_space<hbm>> -> memref<256x128xf32, #tpu.memory_space<hbm>>
    %dma_start3A_123 = arith.constant 0 : i32
    %dma_start3A_124 = tpu.memref_slice %arg4[%mul3A_120, %dma_start3A_123] : memref<8192x128xf32, #tpu.memory_space<hbm>> -> memref<256x128xf32, #tpu.memory_space<hbm>>
    tpu.enqueue_dma source(%arg6 : memref<256x128xf32, #tpu.memory_space<vmem>>) target(%dma_start3A_124 : memref<256x128xf32, #tpu.memory_space<hbm>>) target_semaphore(%arg8 : memref<!tpu.dma_semaphore, #tpu.memory_space<semaphore_mem>>)
    %dma_wait3A_125 = arith.constant 0 : i32
    %dma_wait3A_126 = tpu.memref_slice %arg4[%mul3A_120, %dma_wait3A_125] : memref<8192x128xf32, #tpu.memory_space<hbm>> -> memref<256x128xf32, #tpu.memory_space<hbm>>
    %dma_wait3A_127 = arith.constant 0 : i32
    %dma_wait3A_128 = tpu.memref_slice %arg4[%mul3A_120, %dma_wait3A_127] : memref<8192x128xf32, #tpu.memory_space<hbm>> -> memref<256x128xf32, #tpu.memory_space<hbm>>
    tpu.wait_dma2 semaphore(%arg8 : memref<!tpu.dma_semaphore, #tpu.memory_space<semaphore_mem>>) src(%arg6 : memref<256x128xf32, #tpu.memory_space<vmem>>) dst(%dma_wait3A_128 : memref<256x128xf32, #tpu.memory_space<hbm>>)
    return
  }
}

module attributes {stable_mosaic.version = 14 : i64} {
  func.func @_tc_body(%arg0: i32, %arg1: i32, %arg2: memref<1x2048x128xf32, #tpu.memory_space<vmem>>, %arg3: memref<136x1024xf32, #tpu.memory_space<vmem>>, %arg4: memref<2048x1024xf32, #tpu.memory_space<vmem>>, %arg5: memref<1x1x2048xi32, #tpu.memory_space<vmem>>, %arg6: memref<1x1024xf32, #tpu.memory_space<vmem>>, %arg7: memref<1x1024xf32, #tpu.memory_space<vmem>>, %arg8: memref<1x2048x1024xf32, #tpu.memory_space<vmem>>) attributes {dimension_semantics = [#tpu.dimension_semantics<parallel>, #tpu.dimension_semantics<parallel>], iteration_bounds = array<i64: 1, 4>, scalar_prefetch = 0 : i64, scratch_operands = 0 : i64, tpu.core_type = #tpu.core_type<tc>, window_params = [{transform_indices = @transform_0, window_bounds = array<i64: 1, 2048, 128>}, {pipeline_mode = #tpu.pipeline_mode<synchronous>, transform_indices = @transform_1, window_bounds = array<i64: 136, 1024>}, {transform_indices = @transform_2, window_bounds = array<i64: 2048, 1024>}, {transform_indices = @transform_3, window_bounds = array<i64: 1, 1, 2048>}, {pipeline_mode = #tpu.pipeline_mode<synchronous>, transform_indices = @transform_4, window_bounds = array<i64: 1, 1024>}, {pipeline_mode = #tpu.pipeline_mode<synchronous>, transform_indices = @transform_5, window_bounds = array<i64: 1, 1024>}, {transform_indices = @transform_6, window_bounds = array<i64: 1, 2048, 1024>}]} {
    %get3A = arith.constant 0 : index
    %get3A_0 = arith.constant 0 : index
    %get3A_1 = arith.constant 0 : index
    %get3A_2 = vector.load %arg5[%get3A, %get3A_0, %get3A_1] : memref<1x1x2048xi32, #tpu.memory_space<vmem>>, vector<1x1x2048xi32>
    %get3A_3 = vector.shape_cast %get3A_2 : vector<1x1x2048xi32> to vector<2048xi32>
    %broadcast_in_dim3A = vector.shape_cast %get3A_3 : vector<2048xi32> to vector<2048x1xi32>
    %iota3A = tpu.iota {dimensions = array<i32: 1>} : vector<1x8xi32>
    %eq3A = vector.broadcast %broadcast_in_dim3A : vector<2048x1xi32> to vector<2048x8xi32>
    %eq3A_4 = vector.broadcast %iota3A : vector<1x8xi32> to vector<2048x8xi32>
    %eq3A_5 = arith.cmpi eq, %eq3A, %eq3A_4 : vector<2048x8xi32>
    %convert_element_type3A = arith.extui %eq3A_5 : vector<2048x8xi1> to vector<2048x8xi32>
    %convert_element_type3A_6 = arith.sitofp %convert_element_type3A : vector<2048x8xi32> to vector<2048x8xf32>
    %get3A_7 = arith.constant 0 : index
    %get3A_8 = arith.constant 0 : index
    %get3A_9 = arith.constant 0 : index
    %get3A_10 = vector.load %arg2[%get3A_7, %get3A_8, %get3A_9] : memref<1x2048x128xf32, #tpu.memory_space<vmem>>, vector<1x2048x128xf32>
    %get3A_11 = vector.shape_cast %get3A_10 : vector<1x2048x128xf32> to vector<2048x128xf32>
    %concatenate3A = tpu.concatenate %get3A_11, %convert_element_type3A_6 in 1 : vector<2048x128xf32>, vector<2048x8xf32> -> vector<2048x136xf32>
    %get3A_12 = arith.constant 0 : index
    %get3A_13 = arith.constant 0 : index
    %get3A_14 = vector.load %arg3[%get3A_12, %get3A_13] : memref<136x1024xf32, #tpu.memory_space<vmem>>, vector<136x1024xf32>
    %dot_general3A = arith.constant dense<0.000000e+00> : vector<2048x1024xf32>
    %dot_general3A_15 = tpu.matmul %concatenate3A, %get3A_14, %dot_general3A {dimension_numbers = #tpu.dot_dimension_numbers<[1], [0], [0], [1], [0, 0, 1, 1], [], []>, transpose_lhs_hint = false} : vector<2048x136xf32>, vector<136x1024xf32>, vector<2048x1024xf32> -> vector<2048x1024xf32>
    %get3A_16 = arith.constant 0 : index
    %get3A_17 = arith.constant 0 : index
    %get3A_18 = vector.load %arg4[%get3A_16, %get3A_17] : memref<2048x1024xf32, #tpu.memory_space<vmem>>, vector<2048x1024xf32>
    %add3A = arith.addf %dot_general3A_15, %get3A_18 : vector<2048x1024xf32>
    %reduce_sum3A = arith.constant dense<0.000000e+00> : vector<2048xf32>
    %reduce_sum3A_19 = vector.multi_reduction <add>, %add3A, %reduce_sum3A [1] : vector<2048x1024xf32> to vector<2048xf32>
    %broadcast_in_dim3A_20 = vector.shape_cast %reduce_sum3A_19 : vector<2048xf32> to vector<2048x1xf32>
    %div3A = arith.constant 1.024000e+03 : f32
    %div3A_21 = vector.broadcast %div3A : f32 to vector<2048x1xf32>
    %div3A_22 = arith.divf %broadcast_in_dim3A_20, %div3A_21 : vector<2048x1xf32>
    %sub3A = vector.broadcast %div3A_22 : vector<2048x1xf32> to vector<2048x1024xf32>
    %sub3A_23 = arith.subf %add3A, %sub3A : vector<2048x1024xf32>
    %mul3A = arith.mulf %sub3A_23, %sub3A_23 : vector<2048x1024xf32>
    %reduce_sum3A_24 = arith.constant dense<0.000000e+00> : vector<2048xf32>
    %reduce_sum3A_25 = vector.multi_reduction <add>, %mul3A, %reduce_sum3A_24 [1] : vector<2048x1024xf32> to vector<2048xf32>
    %broadcast_in_dim3A_26 = vector.shape_cast %reduce_sum3A_25 : vector<2048xf32> to vector<2048x1xf32>
    %div3A_27 = arith.constant 1.024000e+03 : f32
    %div3A_28 = vector.broadcast %div3A_27 : f32 to vector<2048x1xf32>
    %div3A_29 = arith.divf %broadcast_in_dim3A_26, %div3A_28 : vector<2048x1xf32>
    %add3A_30 = arith.constant 9.99999996E-13 : f32
    %add3A_31 = vector.broadcast %add3A_30 : f32 to vector<2048x1xf32>
    %add3A_32 = arith.addf %div3A_29, %add3A_31 : vector<2048x1xf32>
    %rsqrt3A = math.rsqrt %add3A_32 : vector<2048x1xf32>
    %mul3A_33 = vector.broadcast %rsqrt3A : vector<2048x1xf32> to vector<2048x1024xf32>
    %mul3A_34 = arith.mulf %sub3A_23, %mul3A_33 : vector<2048x1024xf32>
    %get3A_35 = arith.constant 0 : index
    %get3A_36 = arith.constant 0 : index
    %get3A_37 = vector.load %arg6[%get3A_35, %get3A_36] : memref<1x1024xf32, #tpu.memory_space<vmem>>, vector<1x1024xf32>
    %mul3A_38 = vector.broadcast %get3A_37 : vector<1x1024xf32> to vector<2048x1024xf32>
    %mul3A_39 = arith.mulf %mul3A_34, %mul3A_38 : vector<2048x1024xf32>
    %get3A_40 = arith.constant 0 : index
    %get3A_41 = arith.constant 0 : index
    %get3A_42 = vector.load %arg7[%get3A_40, %get3A_41] : memref<1x1024xf32, #tpu.memory_space<vmem>>, vector<1x1024xf32>
    %add3A_43 = vector.broadcast %get3A_42 : vector<1x1024xf32> to vector<2048x1024xf32>
    %add3A_44 = arith.addf %mul3A_39, %add3A_43 : vector<2048x1024xf32>
    %swap3A = arith.constant 0 : index
    %swap3A_45 = arith.constant 0 : index
    %swap3A_46 = arith.constant 0 : index
    %swap3A_47 = vector.load %arg8[%swap3A, %swap3A_45, %swap3A_46] : memref<1x2048x1024xf32, #tpu.memory_space<vmem>>, vector<1x2048x1024xf32>
    %swap3A_48 = vector.shape_cast %swap3A_47 : vector<1x2048x1024xf32> to vector<2048x1024xf32>
    %swap3A_49 = vector.shape_cast %add3A_44 : vector<2048x1024xf32> to vector<1x2048x1024xf32>
    tpu.vector_store %arg8[%swap3A, %swap3A_45, %swap3A_46], %swap3A_49 {strides = array<i32>} : memref<1x2048x1024xf32, #tpu.memory_space<vmem>>, vector<1x2048x1024xf32>,
    return
  }
  func.func @transform_0(%arg0: i32, %arg1: i32) -> (i32, i32, i32) {
    %mul3A = arith.constant 1 : i32
    %mul3A_0 = arith.muli %arg1, %mul3A : i32
    %add3A = arith.addi %mul3A_0, %arg0 : i32
    %c0_i32 = arith.constant 0 : i32
    %c0_i32_1 = arith.constant 0 : i32
    %c0_i32_2 = arith.constant 0 : i32
    return %add3A, %c0_i32, %c0_i32_1 : i32, i32, i32
  }
  func.func @transform_1(%arg0: i32, %arg1: i32) -> (i32, i32) {
    %c0_i32 = arith.constant 0 : i32
    %c0_i32_0 = arith.constant 0 : i32
    %c0_i32_1 = arith.constant 0 : i32
    return %c0_i32, %c0_i32_0 : i32, i32
  }
  func.func @transform_2(%arg0: i32, %arg1: i32) -> (i32, i32) {
    %c0_i32 = arith.constant 0 : i32
    %c0_i32_0 = arith.constant 0 : i32
    return %arg0, %c0_i32 : i32, i32
  }
  func.func @transform_3(%arg0: i32, %arg1: i32) -> (i32, i32, i32) {
    %mul3A = arith.constant 1 : i32
    %mul3A_0 = arith.muli %arg1, %mul3A : i32
    %add3A = arith.addi %mul3A_0, %arg0 : i32
    %c0_i32 = arith.constant 0 : i32
    %c0_i32_1 = arith.constant 0 : i32
    %c0_i32_2 = arith.constant 0 : i32
    return %add3A, %c0_i32, %c0_i32_1 : i32, i32, i32
  }
  func.func @transform_4(%arg0: i32, %arg1: i32) -> (i32, i32) {
    %c0_i32 = arith.constant 0 : i32
    %c0_i32_0 = arith.constant 0 : i32
    %c0_i32_1 = arith.constant 0 : i32
    return %c0_i32, %c0_i32_0 : i32, i32
  }
  func.func @transform_5(%arg0: i32, %arg1: i32) -> (i32, i32) {
    %c0_i32 = arith.constant 0 : i32
    %c0_i32_0 = arith.constant 0 : i32
    %c0_i32_1 = arith.constant 0 : i32
    return %c0_i32, %c0_i32_0 : i32, i32
  }
  func.func @transform_6(%arg0: i32, %arg1: i32) -> (i32, i32, i32) {
    %c0_i32 = arith.constant 0 : i32
    %c0_i32_0 = arith.constant 0 : i32
    return %arg1, %arg0, %c0_i32 : i32, i32, i32
  }
}

</mosaic_0001>

<sc_bundles>
// kernel: kernel.4.cloned.1.call-start
scs
__scs_entry_jumppad:
0x0: {  	(pc) =	sbr.rel $0x88, $3  }
0x1: {  	(tag) =	ssettag $0x0;
	lr =	simm.s32 $0x1  }
0x2: {  	[smem:$0x3F99] =	sst lr;
	_ =	strace $0xD0000000  }
0x3: {  	_ = 	snop  }
0x4: {  	_ = 	snop  }
0x5: {  	_ = 	snop  }
0x6: {  	_ = 	snop  }
0x7: {  	_ = 	snop  }
__scs_overlays_trampoline_lowered:
0x8: {  	[smem:$0x3FA8] =	sst s0  }
0x9: {  	[smem:$0x3FA9] =	sst s1  }
0xa: {  	[smem:$0x3FAA] =	sst s2  }
0xb: {  	[smem:$0x3FAB] =	sst s3  }
0xc: {  	[smem:$0x3FAC] =	sst s4  }
0xd: {  	[smem:$0x3FAD] =	sst s5  }
0xe: {  	[smem:$0x3FAE] =	sst s6  }
0xf: {  	[smem:$0x3FAF] =	sst s7  }
0x10: {  	[smem:$0x3FB0] =	sst s8  }
0x11: {  	[smem:$0x3FB1] =	sst s9;
	s0 =	simm.s32 @!p0 $0x0  }
0x12: {  	s1 =	sld [smem:$0x3F97];
	s0 =	simm.s32 @p0 $0x1  }
0x13: {  	[smem:$0x3FB2] =	sst s0;
	s0 =	simm.s32 @!p1 $0x0  }
0x14: {  	s2 =	sld [smem:$0x3F96];
	s0 =	simm.s32 @p1 $0x1  }
0x15: {  	[smem:$0x3FB3] =	sst s0;
	s0 =	simm.s32 @!p2 $0x0  }
0x16: {  	s3 =	sld [smem:$0x3FDB];
	s0 =	simm.s32 @p2 $0x1  }
0x17: {  	s4 =	simm.s32 $0x1BF5;
	[smem:$0x3FB5] =	sst s0  }
0x18: {  	s0 =	sld [smem:$0x3F98];
	_ =	swait.ge [sflag:s4], $0x0  }
0x19: {  	s7 =	sld [smem:$0x3F99]  }
0x1a: {  	s8 =	sadd.s32 $0xFFFFE003, lr  }
0x1b: {  	s9 =	sadd.s32 $0xFFFFFEF7, lr;
	s5 =	simm.s32 $0xFFFFFFFF;
	p2 =	slt.u32 s8, $0xFFFFF086  }
0x1c: {  	p1 =	slt.u32 s9, $0xF7A;
	s5 =	simm.s32 @!p2 $0x0  }
0x1d: {  	s5 =	simm.s32 @p1 $0x1;
	p0 =	seq.s32 s7, s2  }
0x1e: {  	s7 =	smul.u32 @!p0 $0xF7A, s2;
	p2 =	seq.s32 @!p0 s5, $0x0  }
0x1f: {  	s9 =	smul.u32 $0xF7A, s1;
	s8 =	simm.s32 @!p0 $0x1BF5;
	p2 =	por !p2, p0  }
0x20: {  	[sflag:s8] =	ssyncset.s32 @!p0 $0xFFFFF086;
	s6 =	sadd.s32 @!p0 s3, s7;
	s7 =	simm.s32 @!p0 $0x108  }
0x21: {  	s3 =	sadd.s32 s3, s9;
	s6 =	sadd.s32 @!p0 $0x88, s6;
	s7 =	simm.s32 @p2 $0x1082  }
0x22: {  	[simem:s7], [sflag:s8] =	dma.local @!p0 [hbm:s6], $0xF7A  }
0x23: {  	s9 =	sor.u32 $0xD0000000, s2;
	s6 =	simm.s32 $0x108;
	_ =	swait.ge @!p0 [sflag:s8], $0x0  }
0x24: {  	s3 =	sadd.s32 $0x88, s3;
	s6 =	simm.s32 @!p1 $0x1082;
	[sflag:s4] =	ssyncset.s32 $0xFFFFF086  }
0x25: {  	[simem:s6], [sflag:s4] =	dma.local [hbm:s3], $0xF7A  }
0x26: {  	[smem:$0x3F99] =	sst s1;
	(tag) =	ssettag s2;
	_ =	strace s9  }
0x27: {  	s1 =	sld [smem:$0x3FA9]  }
0x28: {  	s2 =	sld [smem:$0x3FAA]  }
0x29: {  	s4 =	sld [smem:$0x3FAC]  }
0x2a: {  	p0 =	seq.s32 s5, $0x0;
	s5 =	sld [smem:$0x3FAD]  }
0x2b: {  	s6 =	sld [smem:$0x3FAE]  }
0x2c: {  	s7 =	sld [smem:$0x3FAF]  }
0x2d: {  	s3 =	simm.s32 $0x108;
	s8 =	sld [smem:$0x3FB0]  }
0x2e: {  	s3 =	simm.s32 @!p0 $0x1082;
	s9 =	sld [smem:$0x3FB1]  }
0x2f: {  	lr =	sadd.s32 s0, s3;
	s0 =	sld [smem:$0x3FA8]  }
0x30: {  	s3 =	sld [smem:$0x3FAB]  }
0x31: {  	[smem:$0x3FB4] =	sst s10  }
0x32: {  	s10 =	sld [smem:$0x3FB2];
	_ =	sdelay $0x3  }
0x33: {  	p0 =	seq.s32 s10, $0x1;
	s10 =	sld [smem:$0x3FB4];
	_ =	sdelay $0x3  }
0x34: {  	[smem:$0x3FB4] =	sst s10  }
0x35: {  	s10 =	sld [smem:$0x3FB3];
	_ =	sdelay $0x3  }
0x36: {  	p1 =	seq.s32 s10, $0x1;
	s10 =	sld [smem:$0x3FB4];
	_ =	sdelay $0x3  }
0x37: {  	[smem:$0x3FB4] =	sst s10  }
0x38: {  	s10 =	sld [smem:$0x3FB5]  }
0x39: {  	_ = 	snop;
	(pc) =	sbr.ind lr, $3  }
0x3a: {  	_ = 	snop  }
0x3b: {  	_ = 	snop  }
0x3c: {  	p2 =	seq.s32 s10, $0x1;
	s10 =	sld [smem:$0x3FB4]  }
0x3d: {  	_ =	shalt  }
0x3e: {  	_ =	shalt  }
0x3f: {  	_ =	shalt  }
0x40: {  	_ =	shalt  }
0x41: {  	_ =	shalt  }
0x42: {  	_ =	shalt  }
0x43: {  	_ =	shalt  }
0x44: {  	_ =	shalt  }
0x45: {  	_ =	shalt  }
0x46: {  	_ =	shalt  }
0x47: {  	_ =	shalt  }
0x48: {  	_ =	shalt  }
0x49: {  	_ =	shalt  }
0x4a: {  	_ =	shalt  }
0x4b: {  	_ =	shalt  }
0x4c: {  	_ =	shalt  }
0x4d: {  	_ =	shalt  }
0x4e: {  	_ =	shalt  }
0x4f: {  	_ =	shalt  }
0x50: {  	_ =	shalt  }
0x51: {  	_ =	shalt  }
0x52: {  	_ =	shalt  }
0x53: {  	_ =	shalt  }
0x54: {  	_ =	shalt  }
0x55: {  	_ =	shalt  }
0x56: {  	_ =	shalt  }
0x57: {  	_ =	shalt  }
0x58: {  	_ =	shalt  }
0x59: {  	_ =	shalt  }
0x5a: {  	_ =	shalt  }
0x5b: {  	_ =	shalt  }
0x5c: {  	_ =	shalt  }
0x5d: {  	_ =	shalt  }
0x5e: {  	_ =	shalt  }
0x5f: {  	_ =	shalt  }
0x60: {  	_ =	shalt  }
0x61: {  	_ =	shalt  }
0x62: {  	_ =	shalt  }
0x63: {  	_ =	shalt  }
0x64: {  	_ =	shalt  }
0x65: {  	_ =	shalt  }
0x66: {  	_ =	shalt  }
0x67: {  	_ =	shalt  }
0x68: {  	_ =	shalt  }
0x69: {  	_ =	shalt  }
0x6a: {  	_ =	shalt  }
0x6b: {  	_ =	shalt  }
0x6c: {  	_ =	shalt  }
0x6d: {  	_ =	shalt  }
0x6e: {  	_ =	shalt  }
0x6f: {  	_ =	shalt  }
0x70: {  	_ =	shalt  }
0x71: {  	_ =	shalt  }
0x72: {  	_ =	shalt  }
0x73: {  	_ =	shalt  }
0x74: {  	_ =	shalt  }
0x75: {  	_ =	shalt  }
0x76: {  	_ =	shalt  }
0x77: {  	_ =	shalt  }
0x78: {  	_ =	shalt  }
0x79: {  	_ =	shalt  }
0x7a: {  	_ =	shalt  }
0x7b: {  	_ =	shalt  }
0x7c: {  	_ =	shalt  }
0x7d: {  	_ =	shalt  }
0x7e: {  	_ =	shalt  }
0x7f: {  	_ =	shalt  }
0x80: {  	_ =	shalt  }
0x81: {  	_ =	shalt  }
0x82: {  	_ =	shalt  }
0x83: {  	_ =	shalt  }
0x84: {  	_ =	shalt  }
0x85: {  	_ =	shalt  }
0x86: {  	_ =	shalt  }
0x87: {  	_ =	shalt  }
.Lfunc_end0:
.L_simem_size_0:
called_computation_lowered:
.L_overlay_start_0:
0x88: {  	s2 =	sld [smem:$0x3FD9]  }
0x89: {  	s3 =	sld [smem:$0x3FFE];
	_ =	sdelay $0x1  }
0x8a: {  	s1 =	srdreg.scid  }
0x8b: {  	s0 =	sand.u32 $0x1, s1  }
0x8c: {  	s18 =	sshll.u32 s0, $0xA;
	s2 =	sadd.s32 s3, s2  }
0x8d: {  	s2 =	sadd.s32 s2, s18  }
0x8e: {  	[smem:$0x3FC0] =	sst s2  }
0x8f: {  	_ = 	snop  }
0x90: {  	s2 =	sld [smem:$0x3FC9]  }
0x91: {  	s19 =	sld [smem:$0x3FC7]  }
0x92: {  	s4 =	sld [smem:$0x3FD0];
	(tm) =	ssettm $0x1  }
0x93: {  	s5 =	sld [smem:$0x3FFB];
	_ =	sdelay $0x3  }
0x94: {  	_ =	strace s5  }
0x95: {  	s5 =	sld [smem:$0x3FFC];
	_ =	sdelay $0x3  }
0x96: {  	_ =	strace s5  }
0x97: {  	s5 =	sld [smem:$0x3FFD];
	_ =	sdelay $0x3  }
0x98: {  	_ =	strace s5  }
0x99: {  	_ =	strace $0x8FFFFFFF  }
0x9a: {  	s20 =	sld [smem:$0x3FDB];
	_ =	sdelay $0x1  }
0x9b: {  	s6 =	simm.s32 $_scs_section_size  }
0x9c: {  	s7 =	simm.s32 $_size__tile_overlayer_lowered;
	s8 =	simm.s32 $_tile_overlayer_lowered  }
0x9d: {  	s23 =	simm.s32 $0x1BFF;
	s22 =	sshll.u32 s8, $0x1;
	s5 =	sadd.s32 s6, s20  }
0x9e: {  	s9 =	simm.s32 $0x0;
	s21 =	sshll.u32 s7, $0x1;
	s7 =	sadd.s32 s22, s5  }
0x9f: {  	[timem:s9], [sflag:s23] =	dma.local [hbm:s7], s21  }
0xa0: {  	_ =	swait.ge [sflag:s23], s21  }
0xa1: {  	s6 =	ssub.s32 $0x0, s21;
	[sflag:s23] =	ssyncset.done $0x0  }
0xa2: {  	[sflag:s23] =	ssyncadd.s32 s6;
	_ =	sdelay $0x1  }
0xa3: {  	s24 =	simm.s32 $0x1B8B  }
0xa4: {  	_ =	swait.ge [sflag:s24], $0x1  }
0xa5: {  	[sflag:s24] =	ssyncset.done $0x0  }
0xa6: {  	s25 =	simm.s32 $0x1B8E;
	[sflag:s24] =	ssyncadd.s32 $0xFFFFFFFF  }
0xa7: {  	s26 =	simm.s32 $execute0_lowered;
	[smem:$0x3FD2] =	sst s25  }
0xa8: {  	s6 =	sshll.u32 s26, $0x1;
	_ =	strace $0x80000046;
	[dreg:$0x1] =	wrdreg $0xFFFFFFFF  }
0xa9: {  	s28 =	simm.s32 $_size_execute0_lowered;
	s5 =	sadd.s32 s5, s6;
	[dreg:$0x0] =	wrdreg $0x0  }
0xaa: {  	s6 =	sshll.u32 s28, $0x1;
	[dreg:$0x2] =	wrdreg s5  }
0xab: {  	[dreg:$0x3] =	wrdreg s6  }
0xac: {  	[dreg:$0x4] =	wrdreg $0xC0  }
0xad: {  	_ =	task [dreg:s9], $0x5FFFF  }
0xae: {  	[dreg:$0x1] =	wrdreg $0xFFFFFFFF  }
0xaf: {  	[dreg:$0x0] =	wrdreg $0x60  }
0xb0: {  	[dreg:$0x2] =	wrdreg s2  }
0xb1: {  	[dreg:$0x3] =	wrdreg s19  }
0xb2: {  	[dreg:$0x4] =	wrdreg s4  }
0xb3: {  	[dreg:$0x5] =	wrdreg $0x9  }
0xb4: {  	_ =	task.clear_ibuf [dreg:s9], $0x6FFFF;
	_ =	strace $0x90000046  }
0xb5: {  	s29 =	simm.s32 $0x9;
	_ =	strace $0x80000048  }
0xb6: {  	_ =	swait.ge [sflag:s29], $0x1  }
0xb7: {  	[sflag:s29] =	ssyncadd.s32 $0xFFFFFFFF  }
0xb8: {  	_ =	strace $0x90000048  }
0xb9: {  	_ =	sfence  }
0xba: {  	s30 =	sld [smem:$0x0];
	_ =	sdelay $0x2  }
0xbb: {  	s31 =	sshll.u32 s1, $0xD;
	s1 =	sshrl.u32 s1, $0x2  }
0xbc: {  	s3 =	sand.u32 $0x4000, s31;
	s1 =	sadd.s32 s1, s30  }
0xbd: {  	s0 =	sor.u32 s3, s0;
	s1 =	sshll.u32 s1, $0x11  }
0xbe: {  	s0 =	sor.u32 s1, s0  }
0xbf: {  	s0 =	sadd.s32 $0x8F2B, s0  }
0xc0: {  	[sflag:s0] =	ssyncadd.remote.s32 $0x1  }
0xc1: {  	_ =	sfence.sel $0xFFFF  }
0xc2: {  	[dreg:$0x0] =	wrdreg $0xFFFFFFFF;
	(pc) =	sbr.abs _section_cstart, $3  }
0xc3: {  	[dreg:$0x1] =	wrdreg $0xFFFFFFFF  }
0xc4: {  	_ =	task.clear_ibuf [dreg:s9], $0x2FFFF;
	_ =	strace $0x9FFFFFFF  }
0xc5: {  	(tm) =	ssettm $0x7FFFFFFF  }
tec
execute0_lowered:
.L_overlay_start_1:
0x0: {  	(tag) =	ssettag $0x1  }
0x1: {  	s1 =	srdreg.scid;
	s0 =	stileid.u32  }
0x2: {  	s11 =	sand.u32 $0x1, s1;
	s29 =	sshll.u32 s0, $0x1  }
0x3: {  	s4 =	rddreg [dreg:$0x0];
	s12 =	sor.u32 s11, s29  }
0x4: {  	s2 =	rddreg [dreg:$0x1];
	s6 =	sshll.u32 s0, $0x2;
	s5 =	sshll.u32 s12, $0x7  }
0x5: {  	s13 =	rddreg [dreg:$0x2];
	s3 =	simm.s32 $0x0;
	s5 =	sor.u32 s6, s5  }
0x6: {  	[smem:$0x7FF] =	sst s3;
	s5 =	sand.u32 $0x3B0, s5  }
0x7: {  	s1 =	rddreg [dreg:$0x3];
	_ =	strace $0x80000047;
	s4 =	sadd.s32 s4, s5  }
0x8: {  	[tilespmem:s3], [sflag:$0x2] =	stream.linear.gather [hbm4b:s4+s3], $0x80, $0x38;
	[tilespmem:$0x8100] =	vst v63  }
0x9: {  	s7 =	simm.s32 $0x80;
	s6 =	simm.s32 $0x2;
	s5 =	sadd.s32 $0x40, s4  }
0xa: {  	[tilespmem:s7], [sflag:$0x2] =	stream.linear.gather [hbm4b:s5+s3], $0x80, $0x38;
	[tilespmem:$0x8100] =	vst v63  }
0xb: {  	_ =	swait.ge [sflag:s6], $0x80  }
0xc: {  	[sflag:s6] =	ssyncset.done $0x0  }
0xd: {  	[sflag:s6] =	ssyncadd.s32 $0xFFFFFF80  }
0xe: {  	_ =	swait.ge [sflag:s6], $0x80  }
0xf: {  	[sflag:s6] =	ssyncset.done $0x0  }
0x10: {  	s8 =	simm.s32 $0x100;
	[sflag:s6] =	ssyncadd.s32 $0xFFFFFF80  }
0x11: {  	[tilespmem:s8], [sflag:$0x1] =	stream.indirect.gather [hbm4b:s2+s7], $0x80, s3, s7, $0xb8;
	[tilespmem:$0x8100] =	vst v63  }
0x12: {  	s9 =	simm.s32 $0x4100;
	s10 =	simm.s32 $0x1;
	s11 =	ssub.s32 $0x2, s11  }
0x13: {  	[tilespmem:s9], [sflag:$0x1] =	stream.indirect.gather [hbm4b:s2+s7], $0x80, s7, s7, $0xb8;
	[tilespmem:$0x8100] =	vst v63  }
0x14: {  	s14 =	sshrl.u32 s11, $0x1;
	_ =	swait.ge [sflag:s10], $0x4000  }
0x15: {  	s14 =	ssub.s32 s11, s14;
	[sflag:s10] =	ssyncset.done $0x0  }
0x16: {  	s31 =	smax.u32 s14, $0x1;
	[sflag:s10] =	ssyncadd.s32 $0xFFFFC000  }
0x17: {  	p0 =	sne.s32 s31, $0x1;
	_ =	swait.ge [sflag:s10], $0x4000  }
.Ltmp0:
0x18: {  	s30 =	sshll.u32 s12, $0xC;
	[sflag:s10] =	ssyncset.done $0x0;
	(pc) =	sbr.rel @!p0 .LBB2_2-.Ltmp0, $4  }
0x19: {  	s11 =	sadd.s32 s13, s30;
	[sflag:s10] =	ssyncadd.s32 $0xFFFFC000  }
0x1a: {  	[hbm4b:s11+s3] =	stream.linear.scatter [tilespmem:s8], [sflag:$0x2], $0x8000, $0x38;
	[tilespmem:$0x8100] =	vst v63  }
0x1b: {  	_ =	swait.ge [sflag:s6], $0x8000  }
0x1c: {  	s12 =	sadd.s32 $0xFFFFFFFF, s31;
	[sflag:s6] =	ssyncset.done $0x0  }
.LBB2_1:
0x1d: {  	p0 =	sne.s32 s12, $0x1;
	s12 =	sadd.s32 $0xFFFFFFFF, s12;
	[sflag:s6] =	ssyncadd.s32 $0xFFFF8000  }
0x1e: {  	[tilespmem:s3], [sflag:$0x2] =	stream.linear.gather [hbm4b:s4+s3], $0x80, $0x38;
	[tilespmem:$0x8100] =	vst v63  }
0x1f: {  	_ = 	snop  }
0x20: {  	[tilespmem:s7], [sflag:$0x2] =	stream.linear.gather [hbm4b:s5+s3], $0x80, $0x38;
	[tilespmem:$0x8100] =	vst v63  }
0x21: {  	_ =	swait.ge [sflag:s6], $0x80  }
0x22: {  	[sflag:s6] =	ssyncset.done $0x0  }
0x23: {  	[sflag:s6] =	ssyncadd.s32 $0xFFFFFF80  }
0x24: {  	_ =	swait.ge [sflag:s6], $0x80  }
0x25: {  	[sflag:s6] =	ssyncset.done $0x0  }
0x26: {  	[sflag:s6] =	ssyncadd.s32 $0xFFFFFF80  }
0x27: {  	[tilespmem:s8], [sflag:$0x1] =	stream.indirect.gather [hbm4b:s2+s7], $0x80, s3, s7, $0xb8;
	[tilespmem:$0x8100] =	vst v63  }
0x28: {  	_ = 	snop  }
0x29: {  	[tilespmem:s9], [sflag:$0x1] =	stream.indirect.gather [hbm4b:s2+s7], $0x80, s7, s7, $0xb8;
	[tilespmem:$0x8100] =	vst v63  }
0x2a: {  	_ =	swait.ge [sflag:s10], $0x4000  }
0x2b: {  	[sflag:s10] =	ssyncset.done $0x0  }
0x2c: {  	[sflag:s10] =	ssyncadd.s32 $0xFFFFC000  }
0x2d: {  	_ =	swait.ge [sflag:s10], $0x4000  }
.Ltmp1:
0x2e: {  	[sflag:s10] =	ssyncset.done $0x0;
	(pc) =	sbr.rel @p0 .LBB2_1-.Ltmp1, $4  }
0x2f: {  	[sflag:s10] =	ssyncadd.s32 $0xFFFFC000  }
0x30: {  	[hbm4b:s11+s3] =	stream.linear.scatter [tilespmem:s8], [sflag:$0x2], $0x8000, $0x38;
	[tilespmem:$0x8100] =	vst v63  }
0x31: {  	_ =	swait.ge [sflag:s6], $0x8000  }
0x32: {  	[sflag:s6] =	ssyncset.done $0x0  }
.LBB2_2:
0x33: {  	[sflag:s6] =	ssyncadd.s32 $0xFFFF8000  }
0x34: {  	_ =	sfence.sel $0x180000  }
0x35: {  	[bflag:$0x0] =	sbarrier.arrive $0xFFFF  }
0x36: {  	p0 =	sne.s32 s0, $0x0;
	_ =	strace $0x90000047  }
0x37: {  	s0 =	sadd.s32 @!p0 $0x100000, s1;
	[bflag:$0x2] =	sbarrier.arrive $0xFFFF  }
0x38: {  	[sflag:s0] =	ssyncadd.tile.s32 @!p0 $0x1;
	_ =	shalt  }
.Lfunc_end2:
_tile_overlayer_lowered:
.L_overlay_start_2:
0x39: {  	(tag) =	ssettag $0x2  }
0x3a: {  	s0 =	rddreg [dreg:$0x0];
	s2 =	stileid.u32  }
0x3b: {  	s1 =	rddreg [dreg:$0x1];
	p0 =	sne.s32 s2, $0x0  }
0x3c: {  	s3 =	rddreg [dreg:$0x2];
	[bflag:$0x3] =	sbarrier.arrive $0xFFFF;
	s2 =	simm.s32 @!p0 $0x1C03  }
0x3d: {  	[timem:s3], [sflag:s2] =	dma.local @!p0 [hbm:s0], s1  }
0x3e: {  	s0 =	simm.s32 @!p0 $0x3  }
0x3f: {  	_ =	swait.ge @!p0 [sflag:s0], s1  }
0x40: {  	s1 =	ssub.s32 @!p0 $0x0, s1;
	[sflag:s0] =	ssyncset.done @!p0 $0x0  }
0x41: {  	[sflag:s0] =	ssyncadd.s32 @!p0 s1  }
0x42: {  	[bflag:$0x3] =	sbarrier.arrive $0xFFFF  }
0x43: {  	_ =	shalt  }

</sc_bundles>
